<compile_context>
chip_gen: v7x
topology: tpu7x:2x2x1
jax: 0.10.2.dev20260603
libtpu: 0.0.44.dev20260713+nightly
codegen_flags: <defaults>
</compile_context>

<pallas_src>
import functools

import jax
import jax.numpy as jnp
from jax import lax
from jax.experimental import pallas as pl
from jax.experimental.pallas import tpu as pltpu
from jax.experimental.pallas import tpu_sc as plsc

_NC = 2
_NS = 16
_NW = _NC * _NS

_TV = 2000
_NBUF = 4


def _sc_gather_packed(packed, idx):
    B = idx.shape[0]
    P = packed.shape[1]
    b_per_w = B // _NW
    mesh = plsc.VectorSubcoreMesh(
        core_axis_name="c", subcore_axis_name="s",
        num_cores=_NC, num_subcores=_NS)

    @functools.partial(
        pl.kernel,
        out_type=jax.ShapeDtypeStruct((B, P), jnp.float32),
        mesh=mesh,
        scratch_types=[
            pltpu.VMEM((b_per_w,), jnp.int32),
            pltpu.VMEM((b_per_w,), jnp.int32),
            pltpu.VMEM((b_per_w, P), jnp.float32),
            pltpu.SemaphoreType.DMA,
        ],
    )
    def gather_kernel(packed_hbm, idx_hbm, out_hbm, idx_v, idx2_v, rows_v, sem):
        wid = lax.axis_index("s") * _NC + lax.axis_index("c")
        base = wid * b_per_w
        pltpu.sync_copy(idx_hbm.at[pl.ds(base, b_per_w)], idx_v)
        for k in range(b_per_w // 16):
            sl = pl.ds(k * 16, 16)
            idx2_v[sl] = lax.shift_right_logical(idx_v[sl], 1)
        pltpu.async_copy(packed_hbm.at[idx2_v], rows_v, sem).wait()
        pltpu.sync_copy(rows_v, out_hbm.at[pl.ds(base, b_per_w)])

    return gather_kernel(packed, idx)


def _make_mm_body(B, V, nv):
    def _mm_body(w_ref, e_ref, p_ref, o_hbm, bufs, ea_buf, sems):
        j = pl.program_id(0)
        slot = lax.rem(j, _NBUF)

        @pl.when(j == 0)
        def _():
            ep = e_ref[...]
            D = ep.shape[1] // 2
            odd = p_ref[...] != 0
            e = jnp.where(odd, ep[:, D:], ep[:, :D])
            ea_buf[...] = jnp.concatenate(
                [e, jnp.ones((e.shape[0], 1), jnp.float32)], axis=1)

        @pl.when(j >= _NBUF)
        def _():
            pltpu.make_async_copy(
                bufs.at[slot],
                o_hbm.at[pl.ds((j - _NBUF) * _TV, _TV), :],
                sems.at[slot],
            ).wait()

        bufs[slot] = lax.dot_general(
            w_ref[...], ea_buf[...],
            dimension_numbers=(((1,), (1,)), ((), ())),
            preferred_element_type=jnp.float32,
        )

        pltpu.make_async_copy(
            bufs.at[slot],
            o_hbm.at[pl.ds(j * _TV, _TV), :],
            sems.at[slot],
        ).start()

        @pl.when(j == nv - 1)
        def _():
            for k in range(_NBUF):
                pltpu.make_async_copy(
                    bufs.at[k],
                    o_hbm.at[pl.ds(k * _TV, _TV), :],
                    sems.at[k],
                ).wait()

    return _mm_body


def _tc_project(epacked, parity, W, b):
    B, P = epacked.shape
    V, D = W.shape
    nv = V // _TV
    Wb = jnp.concatenate([W, b.reshape(V, 1)], axis=1)
    body = _make_mm_body(B, V, nv)
    outT = pl.pallas_call(
        body,
        grid=(nv,),
        in_specs=[
            pl.BlockSpec((_TV, D + 1), lambda j: (j, 0)),
            pl.BlockSpec((B, P), lambda j: (0, 0)),
            pl.BlockSpec((B, 1), lambda j: (0, 0)),
        ],
        out_specs=pl.BlockSpec(memory_space=pl.ANY),
        out_shape=jax.ShapeDtypeStruct((V, B), jnp.float32),
        scratch_shapes=[
            pltpu.VMEM((_NBUF, _TV, B), jnp.float32),
            pltpu.VMEM((B, D + 1), jnp.float32),
            pltpu.SemaphoreType.DMA((_NBUF,)),
        ],
        compiler_params=pltpu.CompilerParams(
            vmem_limit_bytes=110 * 1024 * 1024),
    )(Wb, epacked, parity)
    return outT.T


def kernel(x, table, W, b):
    xi = x.astype(jnp.int32)
    V, D = table.shape
    packed = table.reshape(V // 2, 2 * D)
    epacked = _sc_gather_packed(packed, xi)
    parity = (xi & 1).astype(jnp.int32).reshape(-1, 1)
    return _tc_project(epacked, parity, W, b)

# --- scband reference (transcript-rebuilt; emitter-appended) ---
"""Pipeline reference for scband-simple-word2-vec-58531814310473 (READ-ONLY COPY).

The authoritative reference and input builder live on the scoring server;
editing this copy changes nothing except your own understanding.
"""

import jax, jax.numpy as jnp
import numpy as np

VOCAB = 100000
EMBED_DIM = 64
BATCH = 1024

def setup_inputs(seed: int = 0) -> dict:
    key = jax.random.key(seed)
    k1, k2, k3 = jax.random.split(key, 3)
    x = jax.random.randint(k1, (BATCH,), 0, VOCAB, dtype=jnp.int64) if jax.config.jax_enable_x64 else jax.random.randint(k1, (BATCH,), 0, VOCAB, dtype=jnp.int32)
    # Embedding table (nn.Embedding default init: N(0,1))
    table = jax.random.normal(k2, (VOCAB, EMBED_DIM), dtype=jnp.float32)
    # Linear layer (nn.Linear default init: U(-1/sqrt(fan_in), 1/sqrt(fan_in)))
    bound = 1.0 / np.sqrt(EMBED_DIM)
    W = jax.random.uniform(k3, (VOCAB, EMBED_DIM), dtype=jnp.float32, minval=-bound, maxval=bound)
    b = jnp.zeros((VOCAB,), dtype=jnp.float32)
    return {"x": x, "table": table, "W": W, "b": b}

def reference(x, table, W, b):
    # embeds = self.embeddings(x)
    embeds = jnp.take(table, x, axis=0)            # [B, D] gather
    # out = self.linear(embeds)  (torch Linear: x @ W.T + b)
    out = embeds @ W.T + b                          # [B, V]
    return out

if __name__ == "__main__":
    import jax
    _d = setup_inputs()
    print(jax.jit(kernel)(*tuple(_d.values())))

</pallas_src>

<mosaic_0001>
#map = affine_map<(d0, d1) -> (0, 0)>
#map1 = affine_map<(d0, d1) -> (0)>
module attributes {stable_mosaic.version = 14 : i64} {
  func.func @gather_kernel(%arg0: i32, %arg1: i32, %arg2: memref<50000x128xf32, #tpu.memory_space<hbm>>, %arg3: memref<1024xi32, #tpu.memory_space<hbm>>, %arg4: memref<1024x128xf32, #tpu.memory_space<hbm>>, %arg5: memref<32xi32, #tpu.memory_space<vmem>>, %arg6: memref<32xi32, #tpu.memory_space<vmem>>, %arg7: memref<32x128xf32, #tpu.memory_space<vmem>>, %arg8: memref<!tpu.dma_semaphore, #tpu.memory_space<semaphore_mem>>) attributes {dimension_semantics = [#tpu.dimension_semantics<core_parallel>, #tpu.dimension_semantics<subcore_parallel>], iteration_bounds = array<i64: 2, 16>, scalar_prefetch = 0 : i64, scratch_operands = 4 : i64, tpu.core_type = #tpu.core_type<sc_vector_subcore>, window_params = [{transform_indices = #map}, {transform_indices = #map1}, {transform_indices = #map}]} {
    %mul3A = arith.constant 2 : i32
    %mul3A_0 = arith.muli %arg1, %mul3A : i32
    %add3A = arith.addi %mul3A_0, %arg0 : i32
    %mul3A_1 = arith.constant 32 : i32
    %mul3A_2 = arith.muli %add3A, %mul3A_1 : i32
    "tpu.region"() ({
      %run_scoped3A = tpu.sem_alloc : memref<!tpu.dma_semaphore, #tpu.memory_space<semaphore_mem>>
      %dma_start3A_24 = tpu.memref_slice %arg3[%mul3A_2] : memref<1024xi32, #tpu.memory_space<hbm>> -> memref<32xi32, #tpu.memory_space<hbm>>
      %dma_start3A_25 = tpu.memref_slice %arg3[%mul3A_2] : memref<1024xi32, #tpu.memory_space<hbm>> -> memref<32xi32, #tpu.memory_space<hbm>>
      tpu.enqueue_dma source(%dma_start3A_25 : memref<32xi32, #tpu.memory_space<hbm>>) target(%arg5 : memref<32xi32, #tpu.memory_space<vmem>>) target_semaphore(%run_scoped3A : memref<!tpu.dma_semaphore, #tpu.memory_space<semaphore_mem>>)
      %dma_wait3A_26 = tpu.memref_slice %arg3[%mul3A_2] : memref<1024xi32, #tpu.memory_space<hbm>> -> memref<32xi32, #tpu.memory_space<hbm>>
      %dma_wait3A_27 = tpu.memref_slice %arg3[%mul3A_2] : memref<1024xi32, #tpu.memory_space<hbm>> -> memref<32xi32, #tpu.memory_space<hbm>>
      tpu.wait_dma2 semaphore(%run_scoped3A : memref<!tpu.dma_semaphore, #tpu.memory_space<semaphore_mem>>) src(%dma_wait3A_27 : memref<32xi32, #tpu.memory_space<hbm>>) dst(%arg5 : memref<32xi32, #tpu.memory_space<vmem>>)
      tpu.yield
    }) : () -> ()
    %get3A = arith.constant 0 : index
    %get3A_3 = tpu.vector_load %arg5[%get3A] {strides = array<i32>} : memref<32xi32, #tpu.memory_space<vmem>>, vector<16xi32>,
    %get3A_4 = vector.shape_cast %get3A_3 : vector<16xi32> to vector<16xi32>
    %shift_right_logical3A = arith.constant 1 : i32
    %shift_right_logical3A_5 = vector.broadcast %shift_right_logical3A : i32 to vector<16xi32>
    %shift_right_logical3A_6 = arith.shrui %get3A_4, %shift_right_logical3A_5 : vector<16xi32>
    %swap3A = arith.constant 0 : index
    %swap3A_7 = tpu.vector_load %arg6[%swap3A] {strides = array<i32>} : memref<32xi32, #tpu.memory_space<vmem>>, vector<16xi32>,
    %swap3A_8 = vector.shape_cast %swap3A_7 : vector<16xi32> to vector<16xi32>
    %swap3A_9 = vector.shape_cast %shift_right_logical3A_6 : vector<16xi32> to vector<16xi32>
    tpu.vector_store %arg6[%swap3A], %swap3A_9 {strides = array<i32>} : memref<32xi32, #tpu.memory_space<vmem>>, vector<16xi32>,
    %get3A_10 = arith.constant 16 : index
    %get3A_11 = tpu.vector_load %arg5[%get3A_10] {strides = array<i32>} : memref<32xi32, #tpu.memory_space<vmem>>, vector<16xi32>,
    %get3A_12 = vector.shape_cast %get3A_11 : vector<16xi32> to vector<16xi32>
    %shift_right_logical3A_13 = arith.constant 1 : i32
    %shift_right_logical3A_14 = vector.broadcast %shift_right_logical3A_13 : i32 to vector<16xi32>
    %shift_right_logical3A_15 = arith.shrui %get3A_12, %shift_right_logical3A_14 : vector<16xi32>
    %swap3A_16 = arith.constant 16 : index
    %swap3A_17 = tpu.vector_load %arg6[%swap3A_16] {strides = array<i32>} : memref<32xi32, #tpu.memory_space<vmem>>, vector<16xi32>,
    %swap3A_18 = vector.shape_cast %swap3A_17 : vector<16xi32> to vector<16xi32>
    %swap3A_19 = vector.shape_cast %shift_right_logical3A_15 : vector<16xi32> to vector<16xi32>
    tpu.vector_store %arg6[%swap3A_16], %swap3A_19 {strides = array<i32>} : memref<32xi32, #tpu.memory_space<vmem>>, vector<16xi32>,
    %dma_start3A = arith.constant 0 : i32
    %dma_start3A_20 = arith.constant 0 : i32
    %dma_start3A_21 = tpu.memref_slice %arg2[%dma_start3A, %dma_start3A_20] : memref<50000x128xf32, #tpu.memory_space<hbm>> -> memref<50000x128xf32, #tpu.memory_space<hbm>>
    tpu.enqueue_indirect_dma source(%dma_start3A_21 : memref<50000x128xf32, #tpu.memory_space<hbm>>) target(%arg7 : memref<32x128xf32, #tpu.memory_space<vmem>>) offsets(%arg6 : memref<32xi32, #tpu.memory_space<vmem>>) semaphore(%arg8 : memref<!tpu.dma_semaphore, #tpu.memory_space<semaphore_mem>>)
    %dma_wait3A = arith.constant 0 : i32
    %dma_wait3A_22 = arith.constant 0 : i32
    %dma_wait3A_23 = tpu.memref_slice %arg2[%dma_wait3A, %dma_wait3A_22] : memref<50000x128xf32, #tpu.memory_space<hbm>> -> memref<50000x128xf32, #tpu.memory_space<hbm>>
    tpu.wait_indirect_dma semaphore(%arg8 : memref<!tpu.dma_semaphore, #tpu.memory_space<semaphore_mem>>) src(%dma_wait3A_23 : memref<50000x128xf32, #tpu.memory_space<hbm>>) dst(%arg7 : memref<32x128xf32, #tpu.memory_space<vmem>>)
    "tpu.region"() ({
      %run_scoped3A = tpu.sem_alloc : memref<!tpu.dma_semaphore, #tpu.memory_space<semaphore_mem>>
      %dma_start3A_24 = arith.constant 0 : i32
      %dma_start3A_25 = tpu.memref_slice %arg4[%mul3A_2, %dma_start3A_24] : memref<1024x128xf32, #tpu.memory_space<hbm>> -> memref<32x128xf32, #tpu.memory_space<hbm>>
      %dma_start3A_26 = arith.constant 0 : i32
      %dma_start3A_27 = tpu.memref_slice %arg4[%mul3A_2, %dma_start3A_26] : memref<1024x128xf32, #tpu.memory_space<hbm>> -> memref<32x128xf32, #tpu.memory_space<hbm>>
      tpu.enqueue_dma source(%arg7 : memref<32x128xf32, #tpu.memory_space<vmem>>) target(%dma_start3A_27 : memref<32x128xf32, #tpu.memory_space<hbm>>) target_semaphore(%run_scoped3A : memref<!tpu.dma_semaphore, #tpu.memory_space<semaphore_mem>>)
      %dma_wait3A_28 = arith.constant 0 : i32
      %dma_wait3A_29 = tpu.memref_slice %arg4[%mul3A_2, %dma_wait3A_28] : memref<1024x128xf32, #tpu.memory_space<hbm>> -> memref<32x128xf32, #tpu.memory_space<hbm>>
      %dma_wait3A_30 = arith.constant 0 : i32
      %dma_wait3A_31 = tpu.memref_slice %arg4[%mul3A_2, %dma_wait3A_30] : memref<1024x128xf32, #tpu.memory_space<hbm>> -> memref<32x128xf32, #tpu.memory_space<hbm>>
      tpu.wait_dma2 semaphore(%run_scoped3A : memref<!tpu.dma_semaphore, #tpu.memory_space<semaphore_mem>>) src(%arg7 : memref<32x128xf32, #tpu.memory_space<vmem>>) dst(%dma_wait3A_31 : memref<32x128xf32, #tpu.memory_space<hbm>>)
      tpu.yield
    }) : () -> ()
    return
  }
}

module attributes {stable_mosaic.version = 14 : i64} {
  func.func @_mm_body(%arg0: i32, %arg1: memref<2000x65xf32, #tpu.memory_space<vmem>>, %arg2: memref<1024x128xf32, #tpu.memory_space<vmem>>, %arg3: memref<1024x1xi32, #tpu.memory_space<vmem>>, %arg4: memref<100000x1024xf32, #tpu.memory_space<any>>, %arg5: memref<4x2000x1024xf32, #tpu.memory_space<vmem>>, %arg6: memref<1024x65xf32, #tpu.memory_space<vmem>>, %arg7: memref<4x!tpu.dma_semaphore, #tpu.memory_space<semaphore_mem>>) attributes {dimension_semantics = [#tpu.dimension_semantics<arbitrary>], iteration_bounds = array<i64: 50>, scalar_prefetch = 0 : i64, scratch_operands = 3 : i64, tpu.core_type = #tpu.core_type<tc>, window_params = [{transform_indices = @transform_0, window_bounds = array<i64: 2000, 65>}, {pipeline_mode = #tpu.pipeline_mode<synchronous>, transform_indices = @transform_1, window_bounds = array<i64: 1024, 128>}, {pipeline_mode = #tpu.pipeline_mode<synchronous>, transform_indices = @transform_2, window_bounds = array<i64: 1024, 1>}, {}]} {
    %rem3A = arith.constant 4 : i32
    %rem3A_0 = arith.remsi %arg0, %rem3A : i32
    %eq3A = arith.constant 0 : i32
    %eq3A_1 = arith.cmpi eq, %arg0, %eq3A : i32
    %convert_element_type3A = arith.extui %eq3A_1 : i1 to i32
    %cond3A = arith.constant 0 : i32
    %cond3A_2 = arith.cmpi ne, %convert_element_type3A, %cond3A : i32
    scf.if %cond3A_2 {
      %get3A_31 = arith.constant 0 : index
      %get3A_32 = arith.constant 0 : index
      %get3A_33 = vector.load %arg2[%get3A_31, %get3A_32] : memref<1024x128xf32, #tpu.memory_space<vmem>>, vector<1024x128xf32>
      %get3A_34 = arith.constant 0 : index
      %get3A_35 = arith.constant 0 : index
      %get3A_36 = vector.load %arg3[%get3A_34, %get3A_35] : memref<1024x1xi32, #tpu.memory_space<vmem>>, vector<1024x1xi32>
      %ne3A = arith.constant 0 : i32
      %ne3A_37 = vector.broadcast %ne3A : i32 to vector<1024x1xi32>
      %ne3A_38 = arith.cmpi ne, %get3A_36, %ne3A_37 : vector<1024x1xi32>
      %slice3A = vector.extract_strided_slice %get3A_33 {offsets = [0, 64], sizes = [1024, 64], strides = [1, 1]} : vector<1024x128xf32> to vector<1024x64xf32>
      %slice3A_39 = vector.extract_strided_slice %get3A_33 {offsets = [0, 0], sizes = [1024, 64], strides = [1, 1]} : vector<1024x128xf32> to vector<1024x64xf32>
      %broadcast_in_dim3A = vector.shape_cast %ne3A_38 : vector<1024x1xi1> to vector<1024x1xi1>
      %broadcast_in_dim3A_40 = vector.broadcast %broadcast_in_dim3A : vector<1024x1xi1> to vector<1024x64xi1>
      %select_n3A = arith.select %broadcast_in_dim3A_40, %slice3A, %slice3A_39 : vector<1024x64xi1>, vector<1024x64xf32>
      %broadcast_in_dim3A_41 = arith.constant 1.000000e+00 : f32
      %broadcast_in_dim3A_42 = vector.broadcast %broadcast_in_dim3A_41 : f32 to vector<1024x1xf32>
      %concatenate3A = tpu.concatenate %select_n3A, %broadcast_in_dim3A_42 in 1 : vector<1024x64xf32>, vector<1024x1xf32> -> vector<1024x65xf32>
      %swap3A_43 = arith.constant 0 : index
      %swap3A_44 = arith.constant 0 : index
      %swap3A_45 = vector.load %arg6[%swap3A_43, %swap3A_44] : memref<1024x65xf32, #tpu.memory_space<vmem>>, vector<1024x65xf32>
      tpu.vector_store %arg6[%swap3A_43, %swap3A_44], %concatenate3A {strides = array<i32>} : memref<1024x65xf32, #tpu.memory_space<vmem>>, vector<1024x65xf32>,
    } else {
    }
    %ge3A = arith.constant 4 : i32
    %ge3A_3 = arith.cmpi sge, %arg0, %ge3A : i32
    %convert_element_type3A_4 = arith.extui %ge3A_3 : i1 to i32
    %cond3A_5 = arith.constant 0 : i32
    %cond3A_6 = arith.cmpi ne, %convert_element_type3A_4, %cond3A_5 : i32
    scf.if %cond3A_6 {
      %sub3A = arith.constant 4 : i32
      %sub3A_31 = arith.subi %arg0, %sub3A : i32
      %mul3A_32 = arith.constant 2000 : i32
      %mul3A_33 = arith.muli %sub3A_31, %mul3A_32 : i32
      %dma_wait3A = tpu.memref_slice %arg7[%rem3A_0] : memref<4x!tpu.dma_semaphore, #tpu.memory_space<semaphore_mem>> -> memref<1x!tpu.dma_semaphore, #tpu.memory_space<semaphore_mem>>
      %dma_wait3A_34 = tpu.memref_squeeze %dma_wait3A : memref<1x!tpu.dma_semaphore, #tpu.memory_space<semaphore_mem>> -> memref<!tpu.dma_semaphore, #tpu.memory_space<semaphore_mem>>
      %dma_wait3A_35 = arith.constant 0 : i32
      %dma_wait3A_36 = tpu.memref_slice %arg4[%mul3A_33, %dma_wait3A_35] : memref<100000x1024xf32, #tpu.memory_space<any>> -> memref<2000x1024xf32, #tpu.memory_space<any>>
      %dma_wait3A_37 = arith.constant 0 : i32
      %dma_wait3A_38 = arith.constant 0 : i32
      %dma_wait3A_39 = tpu.memref_slice %arg5[%rem3A_0, %dma_wait3A_37, %dma_wait3A_38] : memref<4x2000x1024xf32, #tpu.memory_space<vmem>> -> memref<1x2000x1024xf32, #tpu.memory_space<vmem>>
      %dma_wait3A_40 = tpu.memref_squeeze %dma_wait3A_39 : memref<1x2000x1024xf32, #tpu.memory_space<vmem>> -> memref<2000x1024xf32, #tpu.memory_space<vmem>>
      tpu.wait_dma2 semaphore(%dma_wait3A_34 : memref<!tpu.dma_semaphore, #tpu.memory_space<semaphore_mem>>) src(%dma_wait3A_40 : memref<2000x1024xf32, #tpu.memory_space<vmem>>) dst(%dma_wait3A_36 : memref<2000x1024xf32, #tpu.memory_space<any>>)
    } else {
    }
    %get3A = arith.constant 0 : index
    %get3A_7 = arith.constant 0 : index
    %get3A_8 = vector.load %arg1[%get3A, %get3A_7] : memref<2000x65xf32, #tpu.memory_space<vmem>>, vector<2000x65xf32>
    %get3A_9 = arith.constant 0 : index
    %get3A_10 = arith.constant 0 : index
    %get3A_11 = vector.load %arg6[%get3A_9, %get3A_10] : memref<1024x65xf32, #tpu.memory_space<vmem>>, vector<1024x65xf32>
    %dot_general3A = arith.constant dense<0.000000e+00> : vector<2000x1024xf32>
    %dot_general3A_12 = tpu.matmul %get3A_8, %get3A_11, %dot_general3A {dimension_numbers = #tpu.dot_dimension_numbers<[1], [1], [0], [0], [0, 0, 1, 0], [], []>, transpose_lhs_hint = false} : vector<2000x65xf32>, vector<1024x65xf32>, vector<2000x1024xf32> -> vector<2000x1024xf32>
    %swap3A = arith.index_cast %rem3A_0 : i32 to index
    %swap3A_13 = arith.constant 0 : index
    %swap3A_14 = arith.constant 0 : index
    %swap3A_15 = vector.load %arg5[%swap3A, %swap3A_13, %swap3A_14] : memref<4x2000x1024xf32, #tpu.memory_space<vmem>>, vector<1x2000x1024xf32>
    %swap3A_16 = vector.shape_cast %swap3A_15 : vector<1x2000x1024xf32> to vector<2000x1024xf32>
    %swap3A_17 = vector.shape_cast %dot_general3A_12 : vector<2000x1024xf32> to vector<1x2000x1024xf32>
    tpu.vector_store %arg5[%swap3A, %swap3A_13, %swap3A_14], %swap3A_17 {strides = array<i32>} : memref<4x2000x1024xf32, #tpu.memory_space<vmem>>, vector<1x2000x1024xf32>,
    %mul3A = arith.constant 2000 : i32
    %mul3A_18 = arith.muli %arg0, %mul3A : i32
    %dma_start3A = tpu.memref_slice %arg7[%rem3A_0] : memref<4x!tpu.dma_semaphore, #tpu.memory_space<semaphore_mem>> -> memref<1x!tpu.dma_semaphore, #tpu.memory_space<semaphore_mem>>
    %dma_start3A_19 = tpu.memref_squeeze %dma_start3A : memref<1x!tpu.dma_semaphore, #tpu.memory_space<semaphore_mem>> -> memref<!tpu.dma_semaphore, #tpu.memory_space<semaphore_mem>>
    %dma_start3A_20 = arith.constant 0 : i32
    %dma_start3A_21 = tpu.memref_slice %arg4[%mul3A_18, %dma_start3A_20] : memref<100000x1024xf32, #tpu.memory_space<any>> -> memref<2000x1024xf32, #tpu.memory_space<any>>
    %dma_start3A_22 = arith.constant 0 : i32
    %dma_start3A_23 = arith.constant 0 : i32
    %dma_start3A_24 = tpu.memref_slice %arg5[%rem3A_0, %dma_start3A_22, %dma_start3A_23] : memref<4x2000x1024xf32, #tpu.memory_space<vmem>> -> memref<1x2000x1024xf32, #tpu.memory_space<vmem>>
    %dma_start3A_25 = tpu.memref_squeeze %dma_start3A_24 : memref<1x2000x1024xf32, #tpu.memory_space<vmem>> -> memref<2000x1024xf32, #tpu.memory_space<vmem>>
    tpu.enqueue_dma source(%dma_start3A_25 : memref<2000x1024xf32, #tpu.memory_space<vmem>>) target(%dma_start3A_21 : memref<2000x1024xf32, #tpu.memory_space<any>>) target_semaphore(%dma_start3A_19 : memref<!tpu.dma_semaphore, #tpu.memory_space<semaphore_mem>>)
    %eq3A_26 = arith.constant 49 : i32
    %eq3A_27 = arith.cmpi eq, %arg0, %eq3A_26 : i32
    %convert_element_type3A_28 = arith.extui %eq3A_27 : i1 to i32
    %cond3A_29 = arith.constant 0 : i32
    %cond3A_30 = arith.cmpi ne, %convert_element_type3A_28, %cond3A_29 : i32
    scf.if %cond3A_30 {
      %dma_wait3A = arith.constant 0 : i32
      %dma_wait3A_31 = arith.constant 0 : i32
      %dma_wait3A_32 = tpu.memref_slice %arg7[%dma_wait3A_31] : memref<4x!tpu.dma_semaphore, #tpu.memory_space<semaphore_mem>> -> memref<1x!tpu.dma_semaphore, #tpu.memory_space<semaphore_mem>>
      %dma_wait3A_33 = tpu.memref_squeeze %dma_wait3A_32 : memref<1x!tpu.dma_semaphore, #tpu.memory_space<semaphore_mem>> -> memref<!tpu.dma_semaphore, #tpu.memory_space<semaphore_mem>>
      %dma_wait3A_34 = arith.constant 0 : i32
      %dma_wait3A_35 = arith.constant 0 : i32
      %dma_wait3A_36 = tpu.memref_slice %arg4[%dma_wait3A_34, %dma_wait3A_35] : memref<100000x1024xf32, #tpu.memory_space<any>> -> memref<2000x1024xf32, #tpu.memory_space<any>>
      %dma_wait3A_37 = arith.constant 0 : i32
      %dma_wait3A_38 = arith.constant 0 : i32
      %dma_wait3A_39 = tpu.memref_slice %arg5[%dma_wait3A, %dma_wait3A_37, %dma_wait3A_38] : memref<4x2000x1024xf32, #tpu.memory_space<vmem>> -> memref<1x2000x1024xf32, #tpu.memory_space<vmem>>
      %dma_wait3A_40 = tpu.memref_squeeze %dma_wait3A_39 : memref<1x2000x1024xf32, #tpu.memory_space<vmem>> -> memref<2000x1024xf32, #tpu.memory_space<vmem>>
      tpu.wait_dma2 semaphore(%dma_wait3A_33 : memref<!tpu.dma_semaphore, #tpu.memory_space<semaphore_mem>>) src(%dma_wait3A_40 : memref<2000x1024xf32, #tpu.memory_space<vmem>>) dst(%dma_wait3A_36 : memref<2000x1024xf32, #tpu.memory_space<any>>)
      %dma_wait3A_41 = arith.constant 1 : i32
      %dma_wait3A_42 = arith.constant 1 : i32
      %dma_wait3A_43 = tpu.memref_slice %arg7[%dma_wait3A_42] : memref<4x!tpu.dma_semaphore, #tpu.memory_space<semaphore_mem>> -> memref<1x!tpu.dma_semaphore, #tpu.memory_space<semaphore_mem>>
      %dma_wait3A_44 = tpu.memref_squeeze %dma_wait3A_43 : memref<1x!tpu.dma_semaphore, #tpu.memory_space<semaphore_mem>> -> memref<!tpu.dma_semaphore, #tpu.memory_space<semaphore_mem>>
      %dma_wait3A_45 = arith.constant 2000 : i32
      %dma_wait3A_46 = arith.constant 0 : i32
      %dma_wait3A_47 = tpu.memref_slice %arg4[%dma_wait3A_45, %dma_wait3A_46] : memref<100000x1024xf32, #tpu.memory_space<any>> -> memref<2000x1024xf32, #tpu.memory_space<any>>
      %dma_wait3A_48 = arith.constant 0 : i32
      %dma_wait3A_49 = arith.constant 0 : i32
      %dma_wait3A_50 = tpu.memref_slice %arg5[%dma_wait3A_41, %dma_wait3A_48, %dma_wait3A_49] : memref<4x2000x1024xf32, #tpu.memory_space<vmem>> -> memref<1x2000x1024xf32, #tpu.memory_space<vmem>>
      %dma_wait3A_51 = tpu.memref_squeeze %dma_wait3A_50 : memref<1x2000x1024xf32, #tpu.memory_space<vmem>> -> memref<2000x1024xf32, #tpu.memory_space<vmem>>
      tpu.wait_dma2 semaphore(%dma_wait3A_44 : memref<!tpu.dma_semaphore, #tpu.memory_space<semaphore_mem>>) src(%dma_wait3A_51 : memref<2000x1024xf32, #tpu.memory_space<vmem>>) dst(%dma_wait3A_47 : memref<2000x1024xf32, #tpu.memory_space<any>>)
      %dma_wait3A_52 = arith.constant 2 : i32
      %dma_wait3A_53 = arith.constant 2 : i32
      %dma_wait3A_54 = tpu.memref_slice %arg7[%dma_wait3A_53] : memref<4x!tpu.dma_semaphore, #tpu.memory_space<semaphore_mem>> -> memref<1x!tpu.dma_semaphore, #tpu.memory_space<semaphore_mem>>
      %dma_wait3A_55 = tpu.memref_squeeze %dma_wait3A_54 : memref<1x!tpu.dma_semaphore, #tpu.memory_space<semaphore_mem>> -> memref<!tpu.dma_semaphore, #tpu.memory_space<semaphore_mem>>
      %dma_wait3A_56 = arith.constant 4000 : i32
      %dma_wait3A_57 = arith.constant 0 : i32
      %dma_wait3A_58 = tpu.memref_slice %arg4[%dma_wait3A_56, %dma_wait3A_57] : memref<100000x1024xf32, #tpu.memory_space<any>> -> memref<2000x1024xf32, #tpu.memory_space<any>>
      %dma_wait3A_59 = arith.constant 0 : i32
      %dma_wait3A_60 = arith.constant 0 : i32
      %dma_wait3A_61 = tpu.memref_slice %arg5[%dma_wait3A_52, %dma_wait3A_59, %dma_wait3A_60] : memref<4x2000x1024xf32, #tpu.memory_space<vmem>> -> memref<1x2000x1024xf32, #tpu.memory_space<vmem>>
      %dma_wait3A_62 = tpu.memref_squeeze %dma_wait3A_61 : memref<1x2000x1024xf32, #tpu.memory_space<vmem>> -> memref<2000x1024xf32, #tpu.memory_space<vmem>>
      tpu.wait_dma2 semaphore(%dma_wait3A_55 : memref<!tpu.dma_semaphore, #tpu.memory_space<semaphore_mem>>) src(%dma_wait3A_62 : memref<2000x1024xf32, #tpu.memory_space<vmem>>) dst(%dma_wait3A_58 : memref<2000x1024xf32, #tpu.memory_space<any>>)
      %dma_wait3A_63 = arith.constant 3 : i32
      %dma_wait3A_64 = arith.constant 3 : i32
      %dma_wait3A_65 = tpu.memref_slice %arg7[%dma_wait3A_64] : memref<4x!tpu.dma_semaphore, #tpu.memory_space<semaphore_mem>> -> memref<1x!tpu.dma_semaphore, #tpu.memory_space<semaphore_mem>>
      %dma_wait3A_66 = tpu.memref_squeeze %dma_wait3A_65 : memref<1x!tpu.dma_semaphore, #tpu.memory_space<semaphore_mem>> -> memref<!tpu.dma_semaphore, #tpu.memory_space<semaphore_mem>>
      %dma_wait3A_67 = arith.constant 6000 : i32
      %dma_wait3A_68 = arith.constant 0 : i32
      %dma_wait3A_69 = tpu.memref_slice %arg4[%dma_wait3A_67, %dma_wait3A_68] : memref<100000x1024xf32, #tpu.memory_space<any>> -> memref<2000x1024xf32, #tpu.memory_space<any>>
      %dma_wait3A_70 = arith.constant 0 : i32
      %dma_wait3A_71 = arith.constant 0 : i32
      %dma_wait3A_72 = tpu.memref_slice %arg5[%dma_wait3A_63, %dma_wait3A_70, %dma_wait3A_71] : memref<4x2000x1024xf32, #tpu.memory_space<vmem>> -> memref<1x2000x1024xf32, #tpu.memory_space<vmem>>
      %dma_wait3A_73 = tpu.memref_squeeze %dma_wait3A_72 : memref<1x2000x1024xf32, #tpu.memory_space<vmem>> -> memref<2000x1024xf32, #tpu.memory_space<vmem>>
      tpu.wait_dma2 semaphore(%dma_wait3A_66 : memref<!tpu.dma_semaphore, #tpu.memory_space<semaphore_mem>>) src(%dma_wait3A_73 : memref<2000x1024xf32, #tpu.memory_space<vmem>>) dst(%dma_wait3A_69 : memref<2000x1024xf32, #tpu.memory_space<any>>)
    } else {
    }
    return
  }
  func.func @transform_0(%arg0: i32) -> (i32, i32) {
    %c0_i32 = arith.constant 0 : i32
    %c0_i32_0 = arith.constant 0 : i32
    return %arg0, %c0_i32 : i32, i32
  }
  func.func @transform_1(%arg0: i32) -> (i32, i32) {
    %c0_i32 = arith.constant 0 : i32
    %c0_i32_0 = arith.constant 0 : i32
    %c0_i32_1 = arith.constant 0 : i32
    return %c0_i32, %c0_i32_0 : i32, i32
  }
  func.func @transform_2(%arg0: i32) -> (i32, i32) {
    %c0_i32 = arith.constant 0 : i32
    %c0_i32_0 = arith.constant 0 : i32
    %c0_i32_1 = arith.constant 0 : i32
    return %c0_i32, %c0_i32_0 : i32, i32
  }
}

</mosaic_0001>

<sc_bundles>
// kernel: kernel.4.cloned.1.call-start
scs
__scs_entry_jumppad:
0x0: {  	(pc) =	sbr.rel $0x88, $3  }
0x1: {  	(tag) =	ssettag $0x0;
	lr =	simm.s32 $0x1  }
0x2: {  	[smem:$0x3F9D] =	sst lr;
	_ =	strace $0xD0000000  }
0x3: {  	_ = 	snop  }
0x4: {  	_ = 	snop  }
0x5: {  	_ = 	snop  }
0x6: {  	_ = 	snop  }
0x7: {  	_ = 	snop  }
__scs_overlays_trampoline_lowered:
0x8: {  	[smem:$0x3FAC] =	sst s0  }
0x9: {  	[smem:$0x3FAD] =	sst s1  }
0xa: {  	[smem:$0x3FAE] =	sst s2  }
0xb: {  	[smem:$0x3FAF] =	sst s3  }
0xc: {  	[smem:$0x3FB0] =	sst s4  }
0xd: {  	[smem:$0x3FB1] =	sst s5  }
0xe: {  	[smem:$0x3FB2] =	sst s6  }
0xf: {  	[smem:$0x3FB3] =	sst s7  }
0x10: {  	[smem:$0x3FB4] =	sst s8  }
0x11: {  	[smem:$0x3FB5] =	sst s9;
	s0 =	simm.s32 @!p0 $0x0  }
0x12: {  	s1 =	sld [smem:$0x3F9B];
	s0 =	simm.s32 @p0 $0x1  }
0x13: {  	[smem:$0x3FB6] =	sst s0;
	s0 =	simm.s32 @!p1 $0x0  }
0x14: {  	s2 =	sld [smem:$0x3F9A];
	s0 =	simm.s32 @p1 $0x1  }
0x15: {  	[smem:$0x3FB7] =	sst s0;
	s0 =	simm.s32 @!p2 $0x0  }
0x16: {  	s3 =	sld [smem:$0x3FDB];
	s0 =	simm.s32 @p2 $0x1  }
0x17: {  	s4 =	simm.s32 $0x1BF5;
	[smem:$0x3FB9] =	sst s0  }
0x18: {  	s0 =	sld [smem:$0x3F9C];
	_ =	swait.ge [sflag:s4], $0x0  }
0x19: {  	s7 =	sld [smem:$0x3F9D]  }
0x1a: {  	s8 =	sadd.s32 $0xFFFFE003, lr  }
0x1b: {  	s9 =	sadd.s32 $0xFFFFFEF7, lr;
	s5 =	simm.s32 $0xFFFFFFFF;
	p2 =	slt.u32 s8, $0xFFFFF086  }
0x1c: {  	p1 =	slt.u32 s9, $0xF7A;
	s5 =	simm.s32 @!p2 $0x0  }
0x1d: {  	s5 =	simm.s32 @p1 $0x1;
	p0 =	seq.s32 s7, s2  }
0x1e: {  	s7 =	smul.u32 @!p0 $0xF7A, s2;
	p2 =	seq.s32 @!p0 s5, $0x0  }
0x1f: {  	s9 =	smul.u32 $0xF7A, s1;
	s8 =	simm.s32 @!p0 $0x1BF5;
	p2 =	por !p2, p0  }
0x20: {  	[sflag:s8] =	ssyncset.s32 @!p0 $0xFFFFF086;
	s6 =	sadd.s32 @!p0 s3, s7;
	s7 =	simm.s32 @!p0 $0x108  }
0x21: {  	s3 =	sadd.s32 s3, s9;
	s6 =	sadd.s32 @!p0 $0x88, s6;
	s7 =	simm.s32 @p2 $0x1082  }
0x22: {  	[simem:s7], [sflag:s8] =	dma.local @!p0 [hbm:s6], $0xF7A  }
0x23: {  	s9 =	sor.u32 $0xD0000000, s2;
	s6 =	simm.s32 $0x108;
	_ =	swait.ge @!p0 [sflag:s8], $0x0  }
0x24: {  	s3 =	sadd.s32 $0x88, s3;
	s6 =	simm.s32 @!p1 $0x1082;
	[sflag:s4] =	ssyncset.s32 $0xFFFFF086  }
0x25: {  	[simem:s6], [sflag:s4] =	dma.local [hbm:s3], $0xF7A  }
0x26: {  	[smem:$0x3F9D] =	sst s1;
	(tag) =	ssettag s2;
	_ =	strace s9  }
0x27: {  	s1 =	sld [smem:$0x3FAD]  }
0x28: {  	s2 =	sld [smem:$0x3FAE]  }
0x29: {  	s4 =	sld [smem:$0x3FB0]  }
0x2a: {  	p0 =	seq.s32 s5, $0x0;
	s5 =	sld [smem:$0x3FB1]  }
0x2b: {  	s6 =	sld [smem:$0x3FB2]  }
0x2c: {  	s7 =	sld [smem:$0x3FB3]  }
0x2d: {  	s3 =	simm.s32 $0x108;
	s8 =	sld [smem:$0x3FB4]  }
0x2e: {  	s3 =	simm.s32 @!p0 $0x1082;
	s9 =	sld [smem:$0x3FB5]  }
0x2f: {  	lr =	sadd.s32 s0, s3;
	s0 =	sld [smem:$0x3FAC]  }
0x30: {  	s3 =	sld [smem:$0x3FAF]  }
0x31: {  	[smem:$0x3FB8] =	sst s10  }
0x32: {  	s10 =	sld [smem:$0x3FB6];
	_ =	sdelay $0x3  }
0x33: {  	p0 =	seq.s32 s10, $0x1;
	s10 =	sld [smem:$0x3FB8];
	_ =	sdelay $0x3  }
0x34: {  	[smem:$0x3FB8] =	sst s10  }
0x35: {  	s10 =	sld [smem:$0x3FB7];
	_ =	sdelay $0x3  }
0x36: {  	p1 =	seq.s32 s10, $0x1;
	s10 =	sld [smem:$0x3FB8];
	_ =	sdelay $0x3  }
0x37: {  	[smem:$0x3FB8] =	sst s10  }
0x38: {  	s10 =	sld [smem:$0x3FB9]  }
0x39: {  	_ = 	snop;
	(pc) =	sbr.ind lr, $3  }
0x3a: {  	_ = 	snop  }
0x3b: {  	_ = 	snop  }
0x3c: {  	p2 =	seq.s32 s10, $0x1;
	s10 =	sld [smem:$0x3FB8]  }
0x3d: {  	_ =	shalt  }
0x3e: {  	_ =	shalt  }
0x3f: {  	_ =	shalt  }
0x40: {  	_ =	shalt  }
0x41: {  	_ =	shalt  }
0x42: {  	_ =	shalt  }
0x43: {  	_ =	shalt  }
0x44: {  	_ =	shalt  }
0x45: {  	_ =	shalt  }
0x46: {  	_ =	shalt  }
0x47: {  	_ =	shalt  }
0x48: {  	_ =	shalt  }
0x49: {  	_ =	shalt  }
0x4a: {  	_ =	shalt  }
0x4b: {  	_ =	shalt  }
0x4c: {  	_ =	shalt  }
0x4d: {  	_ =	shalt  }
0x4e: {  	_ =	shalt  }
0x4f: {  	_ =	shalt  }
0x50: {  	_ =	shalt  }
0x51: {  	_ =	shalt  }
0x52: {  	_ =	shalt  }
0x53: {  	_ =	shalt  }
0x54: {  	_ =	shalt  }
0x55: {  	_ =	shalt  }
0x56: {  	_ =	shalt  }
0x57: {  	_ =	shalt  }
0x58: {  	_ =	shalt  }
0x59: {  	_ =	shalt  }
0x5a: {  	_ =	shalt  }
0x5b: {  	_ =	shalt  }
0x5c: {  	_ =	shalt  }
0x5d: {  	_ =	shalt  }
0x5e: {  	_ =	shalt  }
0x5f: {  	_ =	shalt  }
0x60: {  	_ =	shalt  }
0x61: {  	_ =	shalt  }
0x62: {  	_ =	shalt  }
0x63: {  	_ =	shalt  }
0x64: {  	_ =	shalt  }
0x65: {  	_ =	shalt  }
0x66: {  	_ =	shalt  }
0x67: {  	_ =	shalt  }
0x68: {  	_ =	shalt  }
0x69: {  	_ =	shalt  }
0x6a: {  	_ =	shalt  }
0x6b: {  	_ =	shalt  }
0x6c: {  	_ =	shalt  }
0x6d: {  	_ =	shalt  }
0x6e: {  	_ =	shalt  }
0x6f: {  	_ =	shalt  }
0x70: {  	_ =	shalt  }
0x71: {  	_ =	shalt  }
0x72: {  	_ =	shalt  }
0x73: {  	_ =	shalt  }
0x74: {  	_ =	shalt  }
0x75: {  	_ =	shalt  }
0x76: {  	_ =	shalt  }
0x77: {  	_ =	shalt  }
0x78: {  	_ =	shalt  }
0x79: {  	_ =	shalt  }
0x7a: {  	_ =	shalt  }
0x7b: {  	_ =	shalt  }
0x7c: {  	_ =	shalt  }
0x7d: {  	_ =	shalt  }
0x7e: {  	_ =	shalt  }
0x7f: {  	_ =	shalt  }
0x80: {  	_ =	shalt  }
0x81: {  	_ =	shalt  }
0x82: {  	_ =	shalt  }
0x83: {  	_ =	shalt  }
0x84: {  	_ =	shalt  }
0x85: {  	_ =	shalt  }
0x86: {  	_ =	shalt  }
0x87: {  	_ =	shalt  }
.Lfunc_end0:
.L_simem_size_0:
called_computation_lowered:
.L_overlay_start_0:
0x88: {  	s2 =	sld [smem:$0x3FD9]  }
0x89: {  	s3 =	sld [smem:$0x3FFE];
	_ =	sdelay $0x1  }
0x8a: {  	s1 =	srdreg.scid  }
0x8b: {  	s0 =	sand.u32 $0x1, s1  }
0x8c: {  	s17 =	sshll.u32 s0, $0xA;
	s2 =	sadd.s32 s3, s2  }
0x8d: {  	s2 =	sadd.s32 s2, s17  }
0x8e: {  	[smem:$0x3FC4] =	sst s2  }
0x8f: {  	_ = 	snop  }
0x90: {  	s2 =	sld [smem:$0x3FC9];
	(tm) =	ssettm $0x1  }
0x91: {  	s18 =	sld [smem:$0x3FFB];
	_ =	sdelay $0x3  }
0x92: {  	_ =	strace s18  }
0x93: {  	s3 =	sld [smem:$0x3FFC];
	_ =	sdelay $0x3  }
0x94: {  	_ =	strace s3  }
0x95: {  	s3 =	sld [smem:$0x3FFD];
	_ =	sdelay $0x3  }
0x96: {  	_ =	strace s3  }
0x97: {  	_ =	strace $0x8FFFFFFF  }
0x98: {  	s19 =	sld [smem:$0x3FDB];
	_ =	sdelay $0x1  }
0x99: {  	s4 =	simm.s32 $_scs_section_size  }
0x9a: {  	s5 =	simm.s32 $_size__tile_overlayer_lowered;
	s6 =	simm.s32 $_tile_overlayer_lowered  }
0x9b: {  	s22 =	simm.s32 $0x1BFF;
	s21 =	sshll.u32 s6, $0x1;
	s3 =	sadd.s32 s4, s19  }
0x9c: {  	s7 =	simm.s32 $0x0;
	s20 =	sshll.u32 s5, $0x1;
	s5 =	sadd.s32 s21, s3  }
0x9d: {  	[timem:s7], [sflag:s22] =	dma.local [hbm:s5], s20  }
0x9e: {  	_ =	swait.ge [sflag:s22], s20  }
0x9f: {  	s4 =	ssub.s32 $0x0, s20;
	[sflag:s22] =	ssyncset.done $0x0  }
0xa0: {  	[sflag:s22] =	ssyncadd.s32 s4;
	_ =	sdelay $0x1  }
0xa1: {  	s23 =	simm.s32 $0x1B8B  }
0xa2: {  	_ =	swait.ge [sflag:s23], $0x1  }
0xa3: {  	[sflag:s23] =	ssyncset.done $0x0  }
0xa4: {  	s25 =	simm.s32 $0x1B8E;
	s24 =	sld [smem:$0x3FFE];
	[sflag:s23] =	ssyncadd.s32 $0xFFFFFFFF  }
0xa5: {  	s26 =	simm.s32 $execute0_lowered;
	[smem:$0x3FD2] =	sst s25  }
0xa6: {  	s5 =	sshll.u32 s26, $0x1;
	_ =	strace $0x80000046;
	[dreg:$0x1] =	wrdreg $0xFFFFFFFF  }
0xa7: {  	s28 =	simm.s32 $_size_execute0_lowered;
	s3 =	sadd.s32 s3, s5;
	[dreg:$0x0] =	wrdreg $0x0  }
0xa8: {  	s5 =	sshll.u32 s28, $0x1;
	[dreg:$0x2] =	wrdreg s3  }
0xa9: {  	[dreg:$0x3] =	wrdreg s5  }
0xaa: {  	[dreg:$0x4] =	wrdreg $0xC0  }
0xab: {  	_ =	task [dreg:s7], $0x5FFFF  }
0xac: {  	[dreg:$0x1] =	wrdreg $0xFFFFFFFF  }
0xad: {  	[dreg:$0x0] =	wrdreg $0x60  }
0xae: {  	[dreg:$0x2] =	wrdreg s24  }
0xaf: {  	[dreg:$0x3] =	wrdreg s2  }
0xb0: {  	[dreg:$0x4] =	wrdreg $0x9  }
0xb1: {  	_ =	task.clear_ibuf [dreg:s7], $0x5FFFF;
	_ =	strace $0x90000046  }
0xb2: {  	s29 =	simm.s32 $0x9;
	_ =	strace $0x80000048  }
0xb3: {  	_ =	swait.ge [sflag:s29], $0x1  }
0xb4: {  	[sflag:s29] =	ssyncadd.s32 $0xFFFFFFFF  }
0xb5: {  	_ =	strace $0x90000048  }
0xb6: {  	_ =	sfence  }
0xb7: {  	s30 =	sld [smem:$0x0];
	_ =	sdelay $0x2  }
0xb8: {  	s31 =	sshll.u32 s1, $0xD;
	s1 =	sshrl.u32 s1, $0x2  }
0xb9: {  	s3 =	sand.u32 $0x4000, s31;
	s1 =	sadd.s32 s1, s30  }
0xba: {  	s0 =	sor.u32 s3, s0;
	s1 =	sshll.u32 s1, $0x11  }
0xbb: {  	s0 =	sor.u32 s1, s0  }
0xbc: {  	s0 =	sadd.s32 $0x8F2B, s0  }
0xbd: {  	[sflag:s0] =	ssyncadd.remote.s32 $0x1  }
0xbe: {  	_ =	sfence.sel $0xFFFF  }
0xbf: {  	[dreg:$0x0] =	wrdreg $0xFFFFFFFF;
	(pc) =	sbr.abs _section_cstart, $3  }
0xc0: {  	[dreg:$0x1] =	wrdreg $0xFFFFFFFF  }
0xc1: {  	_ =	task.clear_ibuf [dreg:s7], $0x2FFFF;
	_ =	strace $0x9FFFFFFF  }
0xc2: {  	(tm) =	ssettm $0x7FFFFFFF  }
0xc3: {  	_ =	shalt  }
tec
execute0_lowered:
.L_overlay_start_1:
0x0: {  	(tag) =	ssettag $0x1  }
0x1: {  	s1 =	srdreg.scid  }
0x2: {  	s10 =	rddreg [dreg:$0x0];
	s0 =	stileid.u32;
	s6 =	sand.u32 $0x1, s1  }
0x3: {  	s3 =	rddreg [dreg:$0x1];
	s4 =	sshll.u32 s0, $0x6;
	s5 =	sshll.u32 s6, $0x5  }
0x4: {  	s2 =	simm.s32 $0x0;
	s1 =	rddreg [dreg:$0x2];
	s11 =	sor.u32 s5, s4  }
0x5: {  	[smem:$0x7FF] =	sst s2;
	s4 =	sshrl.u32 s11, $0x3  }
0x6: {  	_ =	strace $0x80000047;
	s4 =	sadd.s32 s3, s4;
	s3 =	simm.s32 $0x2  }
0x7: {  	[tilespmem:s2], [sflag:$0x2] =	stream.linear.gather [hbm4b:s4+s2], $0x20, $0x38;
	[tilespmem:$0x1100] =	vst v63  }
0x8: {  	_ =	swait.ge [sflag:s3], $0x20  }
0x9: {  	[sflag:s3] =	ssyncset.done $0x0  }
0xa: {  	[sflag:s3] =	ssyncadd.s32 $0xFFFFFFE0  }
0xb: {  	v0 =	vld [tilespmem:$0x0]  }
0xc: {  	v1 =	vld [tilespmem:$0x10];
	_ =	sdelay $0x1  }
0xd: {  	s12 =	ssub.s32 $0x2, s6  }
0xe: {  	s7 =	simm.s32 $0x80;
	s13 =	sshrl.u32 s12, $0x1  }
0xf: {  	s8 =	simm.s32 $0x100;
	s11 =	sshll.u32 s11, $0x4;
	s31 =	ssub.s32 s12, s13;
	v0 =	vshrl.u32 v0, $0x1  }
0x10: {  	s5 =	sadd.s32 $0x2400, s10;
	s10 =	sadd.s32 s11, s10;
	s11 =	smax.u32 s31, $0x1;
	v63 =	vshrl.u32 v1, $0x1;
	[tilespmem:$0x80] =	vst v0  }
0x11: {  	s9 =	simm.s32 $0x1;
	s6 =	simm.s32 $0x20;
	p0 =	sne.s32 s11, $0x1;
	[tilespmem:$0x90] =	vst v63  }
0x12: {  	[tilespmem:s8], [sflag:$0x1] =	stream.indirect.gather [hbm4b:s5+s6], $0x80, s7, s6, $0xb8;
	[tilespmem:$0x1100] =	vst v63  }
.Ltmp0:
0x13: {  	_ =	swait.ge [sflag:s9], $0x1000;
	(pc) =	sbr.rel @!p0 .LBB2_2-.Ltmp0, $4  }
0x14: {  	[sflag:s9] =	ssyncset.done $0x0  }
0x15: {  	s10 =	sadd.s32 $0xC5A00, s10;
	[sflag:s9] =	ssyncadd.s32 $0xFFFFF000  }
0x16: {  	[hbm4b:s10+s2] =	stream.linear.scatter [tilespmem:s8], [sflag:$0x2], $0x1000, $0x38;
	[tilespmem:$0x1100] =	vst v63  }
0x17: {  	s11 =	sadd.s32 $0xFFFFFFFF, s11;
	_ =	swait.ge [sflag:s3], $0x1000  }
.LBB2_1:
0x18: {  	p0 =	sne.s32 s11, $0x1;
	s11 =	sadd.s32 $0xFFFFFFFF, s11;
	[sflag:s3] =	ssyncset.done $0x0  }
0x19: {  	[sflag:s3] =	ssyncadd.s32 $0xFFFFF000  }
0x1a: {  	[tilespmem:s2], [sflag:$0x2] =	stream.linear.gather [hbm4b:s4+s2], $0x20, $0x38;
	[tilespmem:$0x1100] =	vst v63  }
0x1b: {  	_ =	swait.ge [sflag:s3], $0x20  }
0x1c: {  	[sflag:s3] =	ssyncset.done $0x0  }
0x1d: {  	[sflag:s3] =	ssyncadd.s32 $0xFFFFFFE0  }
0x1e: {  	v0 =	vld [tilespmem:$0x0]  }
0x1f: {  	v1 =	vld [tilespmem:$0x10];
	_ =	sdelay $0x3  }
0x20: {  	v0 =	vshrl.u32 v0, $0x1  }
0x21: {  	[tilespmem:$0x80] =	vst v0;
	v0 =	vshrl.u32 v1, $0x1  }
0x22: {  	[tilespmem:$0x90] =	vst v0  }
0x23: {  	[tilespmem:s8], [sflag:$0x1] =	stream.indirect.gather [hbm4b:s5+s6], $0x80, s7, s6, $0xb8;
	[tilespmem:$0x1100] =	vst v63  }
.Ltmp1:
0x24: {  	_ =	swait.ge [sflag:s9], $0x1000;
	(pc) =	sbr.rel @p0 .LBB2_1-.Ltmp1, $4  }
0x25: {  	[sflag:s9] =	ssyncset.done $0x0  }
0x26: {  	[sflag:s9] =	ssyncadd.s32 $0xFFFFF000  }
0x27: {  	[hbm4b:s10+s2] =	stream.linear.scatter [tilespmem:s8], [sflag:$0x2], $0x1000, $0x38;
	[tilespmem:$0x1100] =	vst v63  }
0x28: {  	_ =	swait.ge [sflag:s3], $0x1000  }
.LBB2_2:
0x29: {  	[sflag:s3] =	ssyncset.done $0x0  }
0x2a: {  	[sflag:s3] =	ssyncadd.s32 $0xFFFFF000  }
0x2b: {  	_ =	sfence.sel $0x180000  }
0x2c: {  	[bflag:$0x0] =	sbarrier.arrive $0xFFFF  }
0x2d: {  	p0 =	sne.s32 s0, $0x0;
	_ =	strace $0x90000047  }
0x2e: {  	s0 =	sadd.s32 @!p0 $0x100000, s1;
	[bflag:$0x2] =	sbarrier.arrive $0xFFFF  }
0x2f: {  	[sflag:s0] =	ssyncadd.tile.s32 @!p0 $0x1;
	_ =	shalt  }
.Lfunc_end2:
_tile_overlayer_lowered:
.L_overlay_start_2:
0x30: {  	(tag) =	ssettag $0x2  }
0x31: {  	s0 =	rddreg [dreg:$0x0];
	s2 =	stileid.u32  }
0x32: {  	s1 =	rddreg [dreg:$0x1];
	p0 =	sne.s32 s2, $0x0  }
0x33: {  	s3 =	rddreg [dreg:$0x2];
	[bflag:$0x3] =	sbarrier.arrive $0xFFFF;
	s2 =	simm.s32 @!p0 $0x1C02  }
0x34: {  	[timem:s3], [sflag:s2] =	dma.local @!p0 [hbm:s0], s1  }
0x35: {  	s0 =	simm.s32 @!p0 $0x2  }
0x36: {  	_ =	swait.ge @!p0 [sflag:s0], s1  }
0x37: {  	s1 =	ssub.s32 @!p0 $0x0, s1;
	[sflag:s0] =	ssyncset.done @!p0 $0x0  }
0x38: {  	[sflag:s0] =	ssyncadd.s32 @!p0 s1  }
0x39: {  	[bflag:$0x3] =	sbarrier.arrive $0xFFFF  }
0x3a: {  	_ =	shalt  }

</sc_bundles>
